<compile_context>
chip_gen: v7x
topology: tpu7x:2x2x1
jax: 0.10.2.dev20260603
libtpu: 0.0.44.dev20260713+nightly
codegen_flags: <defaults>
</compile_context>

<pallas_src>
import functools

import jax
import jax.numpy as jnp
from jax import lax
from jax.experimental import pallas as pl
from jax.experimental.pallas import tpu as pltpu
from jax.experimental.pallas import tpu_sc as plsc

NUM_FIELDS = 26
FIELD_SIZE = 40000
CONT = 13
BATCH = 16384
NUM_ROWS = NUM_FIELDS * FIELD_SIZE + 1

NC = 2
NS = 16
L = 16
NW = NC * NS
BPW = BATCH // NW
NGB = BPW // 128
NROWS_IDX = NUM_FIELDS * NGB


def _fm_body(x_hbm, xc_hbm, tab_hbm, w_hbm, b_hbm, out_hbm,
             x_v, xc_v, w_v, b_v, val_v, out_v, sem):
    cid = lax.axis_index("c")
    sid = lax.axis_index("s")
    wid = sid * NC + cid
    base = wid * BPW

    pltpu.sync_copy(x_hbm.at[:, pl.ds(base, BPW)], x_v)
    pltpu.sync_copy(xc_hbm.at[:, pl.ds(base, BPW)], xc_v)
    pltpu.sync_copy(w_hbm, w_v.at[pl.ds(0, CONT)])
    pltpu.sync_copy(b_hbm, b_v.at[pl.ds(0, 1)])

    tab1 = tab_hbm.at[0]

    def row_copy(j, g, sem):
        off = pl.multiple_of(j * FIELD_SIZE, 8)
        src = tab1.at[pl.ds(off, FIELD_SIZE)]
        return pltpu.make_async_copy(
            src.at[x_v.at[j, pl.ds(g * 128, 128)]],
            val_v.at[j, pl.ds(g * 128, 128)], sem)

    def fire(r, carry):
        row_copy(lax.shift_right_logical(r, 2), r & 3, sem).start()
        return carry

    def drain(r, carry):
        row_copy(0, 0, sem).wait()
        return carry

    lax.fori_loop(0, NROWS_IDX, fire, 0)
    lax.fori_loop(0, NROWS_IDX, drain, 0)

    wv = w_v[:]
    ws = [wv[j] for j in range(CONT)]
    b0 = b_v[:][0]

    def accum(c, carry):
        pos = c * L
        acc = jnp.full((L,), b0, jnp.float32)
        for j in range(NUM_FIELDS):
            acc = acc + val_v[j, pl.ds(pos, L)]
        for j in range(CONT):
            acc = acc + xc_v[j, pl.ds(pos, L)] * ws[j]
        out_v[pl.ds(pos, L)] = acc
        return carry
    lax.fori_loop(0, BPW // L, accum, 0)

    pltpu.sync_copy(out_v, out_hbm.at[pl.ds(base, BPW)])


@functools.partial(
    pl.kernel,
    mesh=plsc.VectorSubcoreMesh(core_axis_name="c", subcore_axis_name="s"),
    out_type=jax.ShapeDtypeStruct((BATCH,), jnp.float32),
    compiler_params=pltpu.CompilerParams(needs_layout_passes=False),
    scratch_types=[
        pltpu.VMEM((NUM_FIELDS, BPW), jnp.int32),
        pltpu.VMEM((CONT, BPW), jnp.float32),
        pltpu.VMEM((L,), jnp.float32),
        pltpu.VMEM((L,), jnp.float32),
        pltpu.VMEM((NUM_FIELDS, BPW), jnp.float32),
        pltpu.VMEM((BPW,), jnp.float32),
        pltpu.SemaphoreType.DMA,
    ],
)
def _fm_sc(x_hbm, xc_hbm, tab_hbm, w_hbm, b_hbm, out_hbm,
           x_v, xc_v, w_v, b_v, val_v, out_v, sem):
    _fm_body(x_hbm, xc_hbm, tab_hbm, w_hbm, b_hbm, out_hbm,
             x_v, xc_v, w_v, b_v, val_v, out_v, sem)


def kernel(x, x_cont, linear_weight, bias, w):
    out = _fm_sc(x.T, x_cont.T, linear_weight.T, w, bias)
    return out.reshape(-1, 1)

# --- scband reference (transcript-rebuilt; emitter-appended) ---
"""Pipeline reference for scband-fm-linear-55121610277380 (READ-ONLY COPY).

The authoritative reference and input builder live on the scoring server;
editing this copy changes nothing except your own understanding.
"""

import jax, jax.numpy as jnp
import numpy as np

FIELD_DIMS = [40000] * 26
CONT_DIMS = 13
BATCH = 16384
NUM_ROWS = sum(FIELD_DIMS) + 1


def setup_inputs(seed: int = 0) -> dict:
    key = jax.random.key(seed)
    k1, k2, k3, k4, k5 = jax.random.split(key, 5)
    x = jax.random.randint(k1, (BATCH, 26), 0, 40000, dtype=jnp.int32)
    x_cont = jax.random.normal(k2, (BATCH, CONT_DIMS), dtype=jnp.float32)
    linear_weight = jax.random.normal(k3, (NUM_ROWS, 1), dtype=jnp.float32) * 0.01
    bias = jax.random.normal(k4, (1,), dtype=jnp.float32)
    w = jax.random.normal(k5, (CONT_DIMS,), dtype=jnp.float32)
    return {"x": x, "x_cont": x_cont, "linear_weight": linear_weight, "bias": bias, "w": w}


def reference(x, x_cont, linear_weight, bias, w):
    offsets = jnp.asarray(np.array((0, *np.cumsum(FIELD_DIMS)[:-1]), dtype=np.int64), dtype=x.dtype)
    xi = x + offsets[None, :]
    linear_term = jnp.take(linear_weight, xi, axis=0)  # [B, 26, 1]
    cont_linear = jnp.matmul(x_cont, w).reshape(-1, 1)  # [B, 1]
    out = jnp.sum(linear_term, axis=1) + bias  # [B, 1]
    out = out + cont_linear
    return out

if __name__ == "__main__":
    import jax
    _d = setup_inputs()
    print(jax.jit(kernel)(*tuple(_d.values())))

</pallas_src>

<mosaic_0001>
#map = affine_map<(d0, d1) -> (0, 0)>
#map1 = affine_map<(d0, d1) -> (0)>
module attributes {stable_mosaic.version = 14 : i64} {
  func.func @_fm_sc(%arg0: i32, %arg1: i32, %arg2: memref<26x16384xi32, #tpu.memory_space<hbm>>, %arg3: memref<13x16384xf32, #tpu.memory_space<hbm>>, %arg4: memref<1x1040001xf32, #tpu.memory_space<hbm>>, %arg5: memref<13xf32, #tpu.memory_space<hbm>>, %arg6: memref<1xf32, #tpu.memory_space<hbm>>, %arg7: memref<16384xf32, #tpu.memory_space<hbm>>, %arg8: memref<26x512xi32, #tpu.memory_space<vmem>>, %arg9: memref<13x512xf32, #tpu.memory_space<vmem>>, %arg10: memref<16xf32, #tpu.memory_space<vmem>>, %arg11: memref<16xf32, #tpu.memory_space<vmem>>, %arg12: memref<26x512xf32, #tpu.memory_space<vmem>>, %arg13: memref<512xf32, #tpu.memory_space<vmem>>, %arg14: memref<!tpu.dma_semaphore, #tpu.memory_space<semaphore_mem>>) attributes {dimension_semantics = [#tpu.dimension_semantics<core_parallel>, #tpu.dimension_semantics<subcore_parallel>], iteration_bounds = array<i64: 2, 16>, scalar_prefetch = 0 : i64, scratch_operands = 7 : i64, tpu.core_type = #tpu.core_type<sc_vector_subcore>, window_params = [{transform_indices = #map}, {transform_indices = #map}, {transform_indices = #map}, {transform_indices = #map1}, {transform_indices = #map1}, {transform_indices = #map1}]} {
    %mul3A = arith.constant 2 : i32
    %mul3A_0 = arith.muli %arg1, %mul3A : i32
    %add3A = arith.addi %mul3A_0, %arg0 : i32
    %mul3A_1 = arith.constant 512 : i32
    %mul3A_2 = arith.muli %add3A, %mul3A_1 : i32
    "tpu.region"() ({
      %run_scoped3A = tpu.sem_alloc : memref<!tpu.dma_semaphore, #tpu.memory_space<semaphore_mem>>
      %dma_start3A = arith.constant 0 : i32
      %dma_start3A_51 = tpu.memref_slice %arg2[%dma_start3A, %mul3A_2] : memref<26x16384xi32, #tpu.memory_space<hbm>> -> memref<26x512xi32, #tpu.memory_space<hbm>>
      %dma_start3A_52 = arith.constant 0 : i32
      %dma_start3A_53 = tpu.memref_slice %arg2[%dma_start3A_52, %mul3A_2] : memref<26x16384xi32, #tpu.memory_space<hbm>> -> memref<26x512xi32, #tpu.memory_space<hbm>>
      tpu.enqueue_dma source(%dma_start3A_53 : memref<26x512xi32, #tpu.memory_space<hbm>>) target(%arg8 : memref<26x512xi32, #tpu.memory_space<vmem>>) target_semaphore(%run_scoped3A : memref<!tpu.dma_semaphore, #tpu.memory_space<semaphore_mem>>)
      %dma_wait3A = arith.constant 0 : i32
      %dma_wait3A_54 = tpu.memref_slice %arg2[%dma_wait3A, %mul3A_2] : memref<26x16384xi32, #tpu.memory_space<hbm>> -> memref<26x512xi32, #tpu.memory_space<hbm>>
      %dma_wait3A_55 = arith.constant 0 : i32
      %dma_wait3A_56 = tpu.memref_slice %arg2[%dma_wait3A_55, %mul3A_2] : memref<26x16384xi32, #tpu.memory_space<hbm>> -> memref<26x512xi32, #tpu.memory_space<hbm>>
      tpu.wait_dma2 semaphore(%run_scoped3A : memref<!tpu.dma_semaphore, #tpu.memory_space<semaphore_mem>>) src(%dma_wait3A_56 : memref<26x512xi32, #tpu.memory_space<hbm>>) dst(%arg8 : memref<26x512xi32, #tpu.memory_space<vmem>>)
      tpu.yield
    }) : () -> ()
    "tpu.region"() ({
      %run_scoped3A = tpu.sem_alloc : memref<!tpu.dma_semaphore, #tpu.memory_space<semaphore_mem>>
      %dma_start3A = arith.constant 0 : i32
      %dma_start3A_51 = tpu.memref_slice %arg3[%dma_start3A, %mul3A_2] : memref<13x16384xf32, #tpu.memory_space<hbm>> -> memref<13x512xf32, #tpu.memory_space<hbm>>
      %dma_start3A_52 = arith.constant 0 : i32
      %dma_start3A_53 = tpu.memref_slice %arg3[%dma_start3A_52, %mul3A_2] : memref<13x16384xf32, #tpu.memory_space<hbm>> -> memref<13x512xf32, #tpu.memory_space<hbm>>
      tpu.enqueue_dma source(%dma_start3A_53 : memref<13x512xf32, #tpu.memory_space<hbm>>) target(%arg9 : memref<13x512xf32, #tpu.memory_space<vmem>>) target_semaphore(%run_scoped3A : memref<!tpu.dma_semaphore, #tpu.memory_space<semaphore_mem>>)
      %dma_wait3A = arith.constant 0 : i32
      %dma_wait3A_54 = tpu.memref_slice %arg3[%dma_wait3A, %mul3A_2] : memref<13x16384xf32, #tpu.memory_space<hbm>> -> memref<13x512xf32, #tpu.memory_space<hbm>>
      %dma_wait3A_55 = arith.constant 0 : i32
      %dma_wait3A_56 = tpu.memref_slice %arg3[%dma_wait3A_55, %mul3A_2] : memref<13x16384xf32, #tpu.memory_space<hbm>> -> memref<13x512xf32, #tpu.memory_space<hbm>>
      tpu.wait_dma2 semaphore(%run_scoped3A : memref<!tpu.dma_semaphore, #tpu.memory_space<semaphore_mem>>) src(%dma_wait3A_56 : memref<13x512xf32, #tpu.memory_space<hbm>>) dst(%arg9 : memref<13x512xf32, #tpu.memory_space<vmem>>)
      tpu.yield
    }) : () -> ()
    "tpu.region"() ({
      %run_scoped3A = tpu.sem_alloc : memref<!tpu.dma_semaphore, #tpu.memory_space<semaphore_mem>>
      %dma_start3A = arith.constant 0 : i32
      %dma_start3A_51 = tpu.memref_slice %arg10[%dma_start3A] : memref<16xf32, #tpu.memory_space<vmem>> -> memref<13xf32, #tpu.memory_space<vmem>>
      %dma_start3A_52 = arith.constant 0 : i32
      %dma_start3A_53 = tpu.memref_slice %arg10[%dma_start3A_52] : memref<16xf32, #tpu.memory_space<vmem>> -> memref<13xf32, #tpu.memory_space<vmem>>
      tpu.enqueue_dma source(%arg5 : memref<13xf32, #tpu.memory_space<hbm>>) target(%dma_start3A_53 : memref<13xf32, #tpu.memory_space<vmem>>) target_semaphore(%run_scoped3A : memref<!tpu.dma_semaphore, #tpu.memory_space<semaphore_mem>>)
      %dma_wait3A = arith.constant 0 : i32
      %dma_wait3A_54 = tpu.memref_slice %arg10[%dma_wait3A] : memref<16xf32, #tpu.memory_space<vmem>> -> memref<13xf32, #tpu.memory_space<vmem>>
      %dma_wait3A_55 = arith.constant 0 : i32
      %dma_wait3A_56 = tpu.memref_slice %arg10[%dma_wait3A_55] : memref<16xf32, #tpu.memory_space<vmem>> -> memref<13xf32, #tpu.memory_space<vmem>>
      tpu.wait_dma2 semaphore(%run_scoped3A : memref<!tpu.dma_semaphore, #tpu.memory_space<semaphore_mem>>) src(%arg5 : memref<13xf32, #tpu.memory_space<hbm>>) dst(%dma_wait3A_56 : memref<13xf32, #tpu.memory_space<vmem>>)
      tpu.yield
    }) : () -> ()
    "tpu.region"() ({
      %run_scoped3A = tpu.sem_alloc : memref<!tpu.dma_semaphore, #tpu.memory_space<semaphore_mem>>
      %dma_start3A = arith.constant 0 : i32
      %dma_start3A_51 = tpu.memref_slice %arg11[%dma_start3A] : memref<16xf32, #tpu.memory_space<vmem>> -> memref<1xf32, #tpu.memory_space<vmem>>
      %dma_start3A_52 = arith.constant 0 : i32
      %dma_start3A_53 = tpu.memref_slice %arg11[%dma_start3A_52] : memref<16xf32, #tpu.memory_space<vmem>> -> memref<1xf32, #tpu.memory_space<vmem>>
      tpu.enqueue_dma source(%arg6 : memref<1xf32, #tpu.memory_space<hbm>>) target(%dma_start3A_53 : memref<1xf32, #tpu.memory_space<vmem>>) target_semaphore(%run_scoped3A : memref<!tpu.dma_semaphore, #tpu.memory_space<semaphore_mem>>)
      %dma_wait3A = arith.constant 0 : i32
      %dma_wait3A_54 = tpu.memref_slice %arg11[%dma_wait3A] : memref<16xf32, #tpu.memory_space<vmem>> -> memref<1xf32, #tpu.memory_space<vmem>>
      %dma_wait3A_55 = arith.constant 0 : i32
      %dma_wait3A_56 = tpu.memref_slice %arg11[%dma_wait3A_55] : memref<16xf32, #tpu.memory_space<vmem>> -> memref<1xf32, #tpu.memory_space<vmem>>
      tpu.wait_dma2 semaphore(%run_scoped3A : memref<!tpu.dma_semaphore, #tpu.memory_space<semaphore_mem>>) src(%arg6 : memref<1xf32, #tpu.memory_space<hbm>>) dst(%dma_wait3A_56 : memref<1xf32, #tpu.memory_space<vmem>>)
      tpu.yield
    }) : () -> ()
    %scan3A = arith.constant 0 : i32
    %scan3A_3 = arith.constant 0 : i32
    %scan3A_4 = arith.constant 0 : i32
    %scan3A_5 = arith.constant 104 : i32
    %scan3A_6 = arith.addi %scan3A_4, %scan3A_5 : i32
    %scan3A_7 = arith.constant 1 : i32
    scf.for %scan3A_51 = %scan3A_4 to %scan3A_6 step %scan3A_7  : i32 {
      %shift_right_logical3A = arith.constant 2 : i32
      %shift_right_logical3A_52 = arith.shrui %scan3A_51, %shift_right_logical3A : i32
      %and3A = arith.constant 3 : i32
      %and3A_53 = arith.andi %scan3A_51, %and3A : i32
      %mul3A_54 = arith.constant 40000 : i32
      %mul3A_55 = arith.muli %shift_right_logical3A_52, %mul3A_54 : i32
      %multiple_of3A = tpu.assume_multiple %mul3A_55, 8 : i32
      %mul3A_56 = arith.constant 128 : i32
      %mul3A_57 = arith.muli %and3A_53, %mul3A_56 : i32
      %mul3A_58 = arith.constant 128 : i32
      %mul3A_59 = arith.muli %and3A_53, %mul3A_58 : i32
      %dma_start3A = tpu.memref_slice %arg12[%shift_right_logical3A_52, %mul3A_59] : memref<26x512xf32, #tpu.memory_space<vmem>> -> memref<1x128xf32, #tpu.memory_space<vmem>>
      %dma_start3A_60 = tpu.memref_squeeze %dma_start3A : memref<1x128xf32, #tpu.memory_space<vmem>> -> memref<128xf32, #tpu.memory_space<vmem>>
      %dma_start3A_61 = tpu.memref_slice %arg8[%shift_right_logical3A_52, %mul3A_57] : memref<26x512xi32, #tpu.memory_space<vmem>> -> memref<1x128xi32, #tpu.memory_space<vmem>>
      %dma_start3A_62 = tpu.memref_squeeze %dma_start3A_61 : memref<1x128xi32, #tpu.memory_space<vmem>> -> memref<128xi32, #tpu.memory_space<vmem>>
      %dma_start3A_63 = arith.constant 0 : i32
      %dma_start3A_64 = tpu.memref_slice %arg4[%scan3A_3, %dma_start3A_63] : memref<1x1040001xf32, #tpu.memory_space<hbm>> -> memref<1x1040001xf32, #tpu.memory_space<hbm>>
      %dma_start3A_65 = tpu.memref_squeeze %dma_start3A_64 : memref<1x1040001xf32, #tpu.memory_space<hbm>> -> memref<1040001xf32, #tpu.memory_space<hbm>>
      %dma_start3A_66 = tpu.memref_slice %dma_start3A_65[%multiple_of3A] : memref<1040001xf32, #tpu.memory_space<hbm>> -> memref<40000xf32, #tpu.memory_space<hbm>>
      %dma_start3A_67 = arith.constant 0 : i32
      %dma_start3A_68 = tpu.memref_slice %dma_start3A_66[%dma_start3A_67] : memref<40000xf32, #tpu.memory_space<hbm>> -> memref<40000xf32, #tpu.memory_space<hbm>>
      tpu.enqueue_indirect_dma source(%dma_start3A_68 : memref<40000xf32, #tpu.memory_space<hbm>>) target(%dma_start3A_60 : memref<128xf32, #tpu.memory_space<vmem>>) offsets(%dma_start3A_62 : memref<128xi32, #tpu.memory_space<vmem>>) semaphore(%arg14 : memref<!tpu.dma_semaphore, #tpu.memory_space<semaphore_mem>>)
    }
    %scan3A_8 = arith.constant 104 : i32
    %scan3A_9 = arith.constant 0 : i32
    %scan3A_10 = arith.constant 0 : i32
    %scan3A_11 = arith.constant 0 : i32
    %scan3A_12 = arith.constant 104 : i32
    %scan3A_13 = arith.addi %scan3A_11, %scan3A_12 : i32
    %scan3A_14 = arith.constant 1 : i32
    scf.for %scan3A_51 = %scan3A_11 to %scan3A_13 step %scan3A_14  : i32 {
      %multiple_of3A = arith.constant 0 : i32
      %multiple_of3A_52 = tpu.assume_multiple %multiple_of3A, 8 : i32
      %dma_wait3A = arith.constant 0 : i32
      %dma_wait3A_53 = arith.constant 0 : i32
      %dma_wait3A_54 = arith.constant 0 : i32
      %dma_wait3A_55 = tpu.memref_slice %arg12[%dma_wait3A_53, %dma_wait3A_54] : memref<26x512xf32, #tpu.memory_space<vmem>> -> memref<1x128xf32, #tpu.memory_space<vmem>>
      %dma_wait3A_56 = tpu.memref_squeeze %dma_wait3A_55 : memref<1x128xf32, #tpu.memory_space<vmem>> -> memref<128xf32, #tpu.memory_space<vmem>>
      %dma_wait3A_57 = arith.constant 0 : i32
      %dma_wait3A_58 = tpu.memref_slice %arg8[%dma_wait3A, %dma_wait3A_57] : memref<26x512xi32, #tpu.memory_space<vmem>> -> memref<1x128xi32, #tpu.memory_space<vmem>>
      %dma_wait3A_59 = tpu.memref_squeeze %dma_wait3A_58 : memref<1x128xi32, #tpu.memory_space<vmem>> -> memref<128xi32, #tpu.memory_space<vmem>>
      %dma_wait3A_60 = arith.constant 0 : i32
      %dma_wait3A_61 = tpu.memref_slice %arg4[%scan3A_10, %dma_wait3A_60] : memref<1x1040001xf32, #tpu.memory_space<hbm>> -> memref<1x1040001xf32, #tpu.memory_space<hbm>>
      %dma_wait3A_62 = tpu.memref_squeeze %dma_wait3A_61 : memref<1x1040001xf32, #tpu.memory_space<hbm>> -> memref<1040001xf32, #tpu.memory_space<hbm>>
      %dma_wait3A_63 = tpu.memref_slice %dma_wait3A_62[%multiple_of3A_52] : memref<1040001xf32, #tpu.memory_space<hbm>> -> memref<40000xf32, #tpu.memory_space<hbm>>
      %dma_wait3A_64 = arith.constant 0 : i32
      %dma_wait3A_65 = tpu.memref_slice %dma_wait3A_63[%dma_wait3A_64] : memref<40000xf32, #tpu.memory_space<hbm>> -> memref<40000xf32, #tpu.memory_space<hbm>>
      tpu.wait_indirect_dma semaphore(%arg14 : memref<!tpu.dma_semaphore, #tpu.memory_space<semaphore_mem>>) src(%dma_wait3A_65 : memref<40000xf32, #tpu.memory_space<hbm>>) dst(%dma_wait3A_56 : memref<128xf32, #tpu.memory_space<vmem>>)
    }
    %scan3A_15 = arith.constant 104 : i32
    %get3A = arith.constant 0 : index
    %get3A_16 = tpu.vector_load %arg10[%get3A] {strides = array<i32>} : memref<16xf32, #tpu.memory_space<vmem>>, vector<16xf32>,
    %slice3A = vector.extract_strided_slice %get3A_16 {offsets = [0], sizes = [1], strides = [1]} : vector<16xf32> to vector<1xf32>
    %squeeze3A = vector.extract %slice3A[0] : f32 from vector<1xf32>
    %slice3A_17 = vector.extract_strided_slice %get3A_16 {offsets = [1], sizes = [1], strides = [1]} : vector<16xf32> to vector<1xf32>
    %squeeze3A_18 = vector.extract %slice3A_17[0] : f32 from vector<1xf32>
    %slice3A_19 = vector.extract_strided_slice %get3A_16 {offsets = [2], sizes = [1], strides = [1]} : vector<16xf32> to vector<1xf32>
    %squeeze3A_20 = vector.extract %slice3A_19[0] : f32 from vector<1xf32>
    %slice3A_21 = vector.extract_strided_slice %get3A_16 {offsets = [3], sizes = [1], strides = [1]} : vector<16xf32> to vector<1xf32>
    %squeeze3A_22 = vector.extract %slice3A_21[0] : f32 from vector<1xf32>
    %slice3A_23 = vector.extract_strided_slice %get3A_16 {offsets = [4], sizes = [1], strides = [1]} : vector<16xf32> to vector<1xf32>
    %squeeze3A_24 = vector.extract %slice3A_23[0] : f32 from vector<1xf32>
    %slice3A_25 = vector.extract_strided_slice %get3A_16 {offsets = [5], sizes = [1], strides = [1]} : vector<16xf32> to vector<1xf32>
    %squeeze3A_26 = vector.extract %slice3A_25[0] : f32 from vector<1xf32>
    %slice3A_27 = vector.extract_strided_slice %get3A_16 {offsets = [6], sizes = [1], strides = [1]} : vector<16xf32> to vector<1xf32>
    %squeeze3A_28 = vector.extract %slice3A_27[0] : f32 from vector<1xf32>
    %slice3A_29 = vector.extract_strided_slice %get3A_16 {offsets = [7], sizes = [1], strides = [1]} : vector<16xf32> to vector<1xf32>
    %squeeze3A_30 = vector.extract %slice3A_29[0] : f32 from vector<1xf32>
    %slice3A_31 = vector.extract_strided_slice %get3A_16 {offsets = [8], sizes = [1], strides = [1]} : vector<16xf32> to vector<1xf32>
    %squeeze3A_32 = vector.extract %slice3A_31[0] : f32 from vector<1xf32>
    %slice3A_33 = vector.extract_strided_slice %get3A_16 {offsets = [9], sizes = [1], strides = [1]} : vector<16xf32> to vector<1xf32>
    %squeeze3A_34 = vector.extract %slice3A_33[0] : f32 from vector<1xf32>
    %slice3A_35 = vector.extract_strided_slice %get3A_16 {offsets = [10], sizes = [1], strides = [1]} : vector<16xf32> to vector<1xf32>
    %squeeze3A_36 = vector.extract %slice3A_35[0] : f32 from vector<1xf32>
    %slice3A_37 = vector.extract_strided_slice %get3A_16 {offsets = [11], sizes = [1], strides = [1]} : vector<16xf32> to vector<1xf32>
    %squeeze3A_38 = vector.extract %slice3A_37[0] : f32 from vector<1xf32>
    %slice3A_39 = vector.extract_strided_slice %get3A_16 {offsets = [12], sizes = [1], strides = [1]} : vector<16xf32> to vector<1xf32>
    %squeeze3A_40 = vector.extract %slice3A_39[0] : f32 from vector<1xf32>
    %get3A_41 = arith.constant 0 : index
    %get3A_42 = tpu.vector_load %arg11[%get3A_41] {strides = array<i32>} : memref<16xf32, #tpu.memory_space<vmem>>, vector<16xf32>,
    %slice3A_43 = vector.extract_strided_slice %get3A_42 {offsets = [0], sizes = [1], strides = [1]} : vector<16xf32> to vector<1xf32>
    %squeeze3A_44 = vector.extract %slice3A_43[0] : f32 from vector<1xf32>
    %scan3A_45 = arith.constant 0 : i32
    %scan3A_46 = arith.constant 0 : i32
    %scan3A_47 = arith.constant 32 : i32
    %scan3A_48 = arith.addi %scan3A_46, %scan3A_47 : i32
    %scan3A_49 = arith.constant 1 : i32
    scf.for %scan3A_51 = %scan3A_46 to %scan3A_48 step %scan3A_49  : i32 {
      %mul3A_52 = arith.constant 16 : i32
      %mul3A_53 = arith.muli %scan3A_51, %mul3A_52 : i32
      %broadcast_in_dim3A = vector.broadcast %squeeze3A_44 : f32 to vector<16xf32>
      %get3A_54 = arith.constant 0 : i32
      %get3A_55 = arith.index_cast %get3A_54 : i32 to index
      %get3A_56 = arith.index_cast %mul3A_53 : i32 to index
      %get3A_57 = tpu.vector_load %arg12[%get3A_55, %get3A_56] {strides = array<i32>} : memref<26x512xf32, #tpu.memory_space<vmem>>, vector<16xf32>,
      %add3A_58 = arith.addf %broadcast_in_dim3A, %get3A_57 : vector<16xf32>
      %get3A_59 = arith.constant 1 : i32
      %get3A_60 = arith.index_cast %get3A_59 : i32 to index
      %get3A_61 = arith.index_cast %mul3A_53 : i32 to index
      %get3A_62 = tpu.vector_load %arg12[%get3A_60, %get3A_61] {strides = array<i32>} : memref<26x512xf32, #tpu.memory_space<vmem>>, vector<16xf32>,
      %add3A_63 = arith.addf %add3A_58, %get3A_62 : vector<16xf32>
      %get3A_64 = arith.constant 2 : i32
      %get3A_65 = arith.index_cast %get3A_64 : i32 to index
      %get3A_66 = arith.index_cast %mul3A_53 : i32 to index
      %get3A_67 = tpu.vector_load %arg12[%get3A_65, %get3A_66] {strides = array<i32>} : memref<26x512xf32, #tpu.memory_space<vmem>>, vector<16xf32>,
      %add3A_68 = arith.addf %add3A_63, %get3A_67 : vector<16xf32>
      %get3A_69 = arith.constant 3 : i32
      %get3A_70 = arith.index_cast %get3A_69 : i32 to index
      %get3A_71 = arith.index_cast %mul3A_53 : i32 to index
      %get3A_72 = tpu.vector_load %arg12[%get3A_70, %get3A_71] {strides = array<i32>} : memref<26x512xf32, #tpu.memory_space<vmem>>, vector<16xf32>,
      %add3A_73 = arith.addf %add3A_68, %get3A_72 : vector<16xf32>
      %get3A_74 = arith.constant 4 : i32
      %get3A_75 = arith.index_cast %get3A_74 : i32 to index
      %get3A_76 = arith.index_cast %mul3A_53 : i32 to index
      %get3A_77 = tpu.vector_load %arg12[%get3A_75, %get3A_76] {strides = array<i32>} : memref<26x512xf32, #tpu.memory_space<vmem>>, vector<16xf32>,
      %add3A_78 = arith.addf %add3A_73, %get3A_77 : vector<16xf32>
      %get3A_79 = arith.constant 5 : i32
      %get3A_80 = arith.index_cast %get3A_79 : i32 to index
      %get3A_81 = arith.index_cast %mul3A_53 : i32 to index
      %get3A_82 = tpu.vector_load %arg12[%get3A_80, %get3A_81] {strides = array<i32>} : memref<26x512xf32, #tpu.memory_space<vmem>>, vector<16xf32>,
      %add3A_83 = arith.addf %add3A_78, %get3A_82 : vector<16xf32>
      %get3A_84 = arith.constant 6 : i32
      %get3A_85 = arith.index_cast %get3A_84 : i32 to index
      %get3A_86 = arith.index_cast %mul3A_53 : i32 to index
      %get3A_87 = tpu.vector_load %arg12[%get3A_85, %get3A_86] {strides = array<i32>} : memref<26x512xf32, #tpu.memory_space<vmem>>, vector<16xf32>,
      %add3A_88 = arith.addf %add3A_83, %get3A_87 : vector<16xf32>
      %get3A_89 = arith.constant 7 : i32
      %get3A_90 = arith.index_cast %get3A_89 : i32 to index
      %get3A_91 = arith.index_cast %mul3A_53 : i32 to index
      %get3A_92 = tpu.vector_load %arg12[%get3A_90, %get3A_91] {strides = array<i32>} : memref<26x512xf32, #tpu.memory_space<vmem>>, vector<16xf32>,
      %add3A_93 = arith.addf %add3A_88, %get3A_92 : vector<16xf32>
      %get3A_94 = arith.constant 8 : i32
      %get3A_95 = arith.index_cast %get3A_94 : i32 to index
      %get3A_96 = arith.index_cast %mul3A_53 : i32 to index
      %get3A_97 = tpu.vector_load %arg12[%get3A_95, %get3A_96] {strides = array<i32>} : memref<26x512xf32, #tpu.memory_space<vmem>>, vector<16xf32>,
      %add3A_98 = arith.addf %add3A_93, %get3A_97 : vector<16xf32>
      %get3A_99 = arith.constant 9 : i32
      %get3A_100 = arith.index_cast %get3A_99 : i32 to index
      %get3A_101 = arith.index_cast %mul3A_53 : i32 to index
      %get3A_102 = tpu.vector_load %arg12[%get3A_100, %get3A_101] {strides = array<i32>} : memref<26x512xf32, #tpu.memory_space<vmem>>, vector<16xf32>,
      %add3A_103 = arith.addf %add3A_98, %get3A_102 : vector<16xf32>
      %get3A_104 = arith.constant 10 : i32
      %get3A_105 = arith.index_cast %get3A_104 : i32 to index
      %get3A_106 = arith.index_cast %mul3A_53 : i32 to index
      %get3A_107 = tpu.vector_load %arg12[%get3A_105, %get3A_106] {strides = array<i32>} : memref<26x512xf32, #tpu.memory_space<vmem>>, vector<16xf32>,
      %add3A_108 = arith.addf %add3A_103, %get3A_107 : vector<16xf32>
      %get3A_109 = arith.constant 11 : i32
      %get3A_110 = arith.index_cast %get3A_109 : i32 to index
      %get3A_111 = arith.index_cast %mul3A_53 : i32 to index
      %get3A_112 = tpu.vector_load %arg12[%get3A_110, %get3A_111] {strides = array<i32>} : memref<26x512xf32, #tpu.memory_space<vmem>>, vector<16xf32>,
      %add3A_113 = arith.addf %add3A_108, %get3A_112 : vector<16xf32>
      %get3A_114 = arith.constant 12 : i32
      %get3A_115 = arith.index_cast %get3A_114 : i32 to index
      %get3A_116 = arith.index_cast %mul3A_53 : i32 to index
      %get3A_117 = tpu.vector_load %arg12[%get3A_115, %get3A_116] {strides = array<i32>} : memref<26x512xf32, #tpu.memory_space<vmem>>, vector<16xf32>,
      %add3A_118 = arith.addf %add3A_113, %get3A_117 : vector<16xf32>
      %get3A_119 = arith.constant 13 : i32
      %get3A_120 = arith.index_cast %get3A_119 : i32 to index
      %get3A_121 = arith.index_cast %mul3A_53 : i32 to index
      %get3A_122 = tpu.vector_load %arg12[%get3A_120, %get3A_121] {strides = array<i32>} : memref<26x512xf32, #tpu.memory_space<vmem>>, vector<16xf32>,
      %add3A_123 = arith.addf %add3A_118, %get3A_122 : vector<16xf32>
      %get3A_124 = arith.constant 14 : i32
      %get3A_125 = arith.index_cast %get3A_124 : i32 to index
      %get3A_126 = arith.index_cast %mul3A_53 : i32 to index
      %get3A_127 = tpu.vector_load %arg12[%get3A_125, %get3A_126] {strides = array<i32>} : memref<26x512xf32, #tpu.memory_space<vmem>>, vector<16xf32>,
      %add3A_128 = arith.addf %add3A_123, %get3A_127 : vector<16xf32>
      %get3A_129 = arith.constant 15 : i32
      %get3A_130 = arith.index_cast %get3A_129 : i32 to index
      %get3A_131 = arith.index_cast %mul3A_53 : i32 to index
      %get3A_132 = tpu.vector_load %arg12[%get3A_130, %get3A_131] {strides = array<i32>} : memref<26x512xf32, #tpu.memory_space<vmem>>, vector<16xf32>,
      %add3A_133 = arith.addf %add3A_128, %get3A_132 : vector<16xf32>
      %get3A_134 = arith.constant 16 : i32
      %get3A_135 = arith.index_cast %get3A_134 : i32 to index
      %get3A_136 = arith.index_cast %mul3A_53 : i32 to index
      %get3A_137 = tpu.vector_load %arg12[%get3A_135, %get3A_136] {strides = array<i32>} : memref<26x512xf32, #tpu.memory_space<vmem>>, vector<16xf32>,
      %add3A_138 = arith.addf %add3A_133, %get3A_137 : vector<16xf32>
      %get3A_139 = arith.constant 17 : i32
      %get3A_140 = arith.index_cast %get3A_139 : i32 to index
      %get3A_141 = arith.index_cast %mul3A_53 : i32 to index
      %get3A_142 = tpu.vector_load %arg12[%get3A_140, %get3A_141] {strides = array<i32>} : memref<26x512xf32, #tpu.memory_space<vmem>>, vector<16xf32>,
      %add3A_143 = arith.addf %add3A_138, %get3A_142 : vector<16xf32>
      %get3A_144 = arith.constant 18 : i32
      %get3A_145 = arith.index_cast %get3A_144 : i32 to index
      %get3A_146 = arith.index_cast %mul3A_53 : i32 to index
      %get3A_147 = tpu.vector_load %arg12[%get3A_145, %get3A_146] {strides = array<i32>} : memref<26x512xf32, #tpu.memory_space<vmem>>, vector<16xf32>,
      %add3A_148 = arith.addf %add3A_143, %get3A_147 : vector<16xf32>
      %get3A_149 = arith.constant 19 : i32
      %get3A_150 = arith.index_cast %get3A_149 : i32 to index
      %get3A_151 = arith.index_cast %mul3A_53 : i32 to index
      %get3A_152 = tpu.vector_load %arg12[%get3A_150, %get3A_151] {strides = array<i32>} : memref<26x512xf32, #tpu.memory_space<vmem>>, vector<16xf32>,
      %add3A_153 = arith.addf %add3A_148, %get3A_152 : vector<16xf32>
      %get3A_154 = arith.constant 20 : i32
      %get3A_155 = arith.index_cast %get3A_154 : i32 to index
      %get3A_156 = arith.index_cast %mul3A_53 : i32 to index
      %get3A_157 = tpu.vector_load %arg12[%get3A_155, %get3A_156] {strides = array<i32>} : memref<26x512xf32, #tpu.memory_space<vmem>>, vector<16xf32>,
      %add3A_158 = arith.addf %add3A_153, %get3A_157 : vector<16xf32>
      %get3A_159 = arith.constant 21 : i32
      %get3A_160 = arith.index_cast %get3A_159 : i32 to index
      %get3A_161 = arith.index_cast %mul3A_53 : i32 to index
      %get3A_162 = tpu.vector_load %arg12[%get3A_160, %get3A_161] {strides = array<i32>} : memref<26x512xf32, #tpu.memory_space<vmem>>, vector<16xf32>,
      %add3A_163 = arith.addf %add3A_158, %get3A_162 : vector<16xf32>
      %get3A_164 = arith.constant 22 : i32
      %get3A_165 = arith.index_cast %get3A_164 : i32 to index
      %get3A_166 = arith.index_cast %mul3A_53 : i32 to index
      %get3A_167 = tpu.vector_load %arg12[%get3A_165, %get3A_166] {strides = array<i32>} : memref<26x512xf32, #tpu.memory_space<vmem>>, vector<16xf32>,
      %add3A_168 = arith.addf %add3A_163, %get3A_167 : vector<16xf32>
      %get3A_169 = arith.constant 23 : i32
      %get3A_170 = arith.index_cast %get3A_169 : i32 to index
      %get3A_171 = arith.index_cast %mul3A_53 : i32 to index
      %get3A_172 = tpu.vector_load %arg12[%get3A_170, %get3A_171] {strides = array<i32>} : memref<26x512xf32, #tpu.memory_space<vmem>>, vector<16xf32>,
      %add3A_173 = arith.addf %add3A_168, %get3A_172 : vector<16xf32>
      %get3A_174 = arith.constant 24 : i32
      %get3A_175 = arith.index_cast %get3A_174 : i32 to index
      %get3A_176 = arith.index_cast %mul3A_53 : i32 to index
      %get3A_177 = tpu.vector_load %arg12[%get3A_175, %get3A_176] {strides = array<i32>} : memref<26x512xf32, #tpu.memory_space<vmem>>, vector<16xf32>,
      %add3A_178 = arith.addf %add3A_173, %get3A_177 : vector<16xf32>
      %get3A_179 = arith.constant 25 : i32
      %get3A_180 = arith.index_cast %get3A_179 : i32 to index
      %get3A_181 = arith.index_cast %mul3A_53 : i32 to index
      %get3A_182 = tpu.vector_load %arg12[%get3A_180, %get3A_181] {strides = array<i32>} : memref<26x512xf32, #tpu.memory_space<vmem>>, vector<16xf32>,
      %add3A_183 = arith.addf %add3A_178, %get3A_182 : vector<16xf32>
      %get3A_184 = arith.constant 0 : i32
      %get3A_185 = arith.index_cast %get3A_184 : i32 to index
      %get3A_186 = arith.index_cast %mul3A_53 : i32 to index
      %get3A_187 = tpu.vector_load %arg9[%get3A_185, %get3A_186] {strides = array<i32>} : memref<13x512xf32, #tpu.memory_space<vmem>>, vector<16xf32>,
      %mul3A_188 = vector.broadcast %squeeze3A : f32 to vector<16xf32>
      %mul3A_189 = arith.mulf %get3A_187, %mul3A_188 : vector<16xf32>
      %add3A_190 = arith.addf %add3A_183, %mul3A_189 : vector<16xf32>
      %get3A_191 = arith.constant 1 : i32
      %get3A_192 = arith.index_cast %get3A_191 : i32 to index
      %get3A_193 = arith.index_cast %mul3A_53 : i32 to index
      %get3A_194 = tpu.vector_load %arg9[%get3A_192, %get3A_193] {strides = array<i32>} : memref<13x512xf32, #tpu.memory_space<vmem>>, vector<16xf32>,
      %mul3A_195 = vector.broadcast %squeeze3A_18 : f32 to vector<16xf32>
      %mul3A_196 = arith.mulf %get3A_194, %mul3A_195 : vector<16xf32>
      %add3A_197 = arith.addf %add3A_190, %mul3A_196 : vector<16xf32>
      %get3A_198 = arith.constant 2 : i32
      %get3A_199 = arith.index_cast %get3A_198 : i32 to index
      %get3A_200 = arith.index_cast %mul3A_53 : i32 to index
      %get3A_201 = tpu.vector_load %arg9[%get3A_199, %get3A_200] {strides = array<i32>} : memref<13x512xf32, #tpu.memory_space<vmem>>, vector<16xf32>,
      %mul3A_202 = vector.broadcast %squeeze3A_20 : f32 to vector<16xf32>
      %mul3A_203 = arith.mulf %get3A_201, %mul3A_202 : vector<16xf32>
      %add3A_204 = arith.addf %add3A_197, %mul3A_203 : vector<16xf32>
      %get3A_205 = arith.constant 3 : i32
      %get3A_206 = arith.index_cast %get3A_205 : i32 to index
      %get3A_207 = arith.index_cast %mul3A_53 : i32 to index
      %get3A_208 = tpu.vector_load %arg9[%get3A_206, %get3A_207] {strides = array<i32>} : memref<13x512xf32, #tpu.memory_space<vmem>>, vector<16xf32>,
      %mul3A_209 = vector.broadcast %squeeze3A_22 : f32 to vector<16xf32>
      %mul3A_210 = arith.mulf %get3A_208, %mul3A_209 : vector<16xf32>
      %add3A_211 = arith.addf %add3A_204, %mul3A_210 : vector<16xf32>
      %get3A_212 = arith.constant 4 : i32
      %get3A_213 = arith.index_cast %get3A_212 : i32 to index
      %get3A_214 = arith.index_cast %mul3A_53 : i32 to index
      %get3A_215 = tpu.vector_load %arg9[%get3A_213, %get3A_214] {strides = array<i32>} : memref<13x512xf32, #tpu.memory_space<vmem>>, vector<16xf32>,
      %mul3A_216 = vector.broadcast %squeeze3A_24 : f32 to vector<16xf32>
      %mul3A_217 = arith.mulf %get3A_215, %mul3A_216 : vector<16xf32>
      %add3A_218 = arith.addf %add3A_211, %mul3A_217 : vector<16xf32>
      %get3A_219 = arith.constant 5 : i32
      %get3A_220 = arith.index_cast %get3A_219 : i32 to index
      %get3A_221 = arith.index_cast %mul3A_53 : i32 to index
      %get3A_222 = tpu.vector_load %arg9[%get3A_220, %get3A_221] {strides = array<i32>} : memref<13x512xf32, #tpu.memory_space<vmem>>, vector<16xf32>,
      %mul3A_223 = vector.broadcast %squeeze3A_26 : f32 to vector<16xf32>
      %mul3A_224 = arith.mulf %get3A_222, %mul3A_223 : vector<16xf32>
      %add3A_225 = arith.addf %add3A_218, %mul3A_224 : vector<16xf32>
      %get3A_226 = arith.constant 6 : i32
      %get3A_227 = arith.index_cast %get3A_226 : i32 to index
      %get3A_228 = arith.index_cast %mul3A_53 : i32 to index
      %get3A_229 = tpu.vector_load %arg9[%get3A_227, %get3A_228] {strides = array<i32>} : memref<13x512xf32, #tpu.memory_space<vmem>>, vector<16xf32>,
      %mul3A_230 = vector.broadcast %squeeze3A_28 : f32 to vector<16xf32>
      %mul3A_231 = arith.mulf %get3A_229, %mul3A_230 : vector<16xf32>
      %add3A_232 = arith.addf %add3A_225, %mul3A_231 : vector<16xf32>
      %get3A_233 = arith.constant 7 : i32
      %get3A_234 = arith.index_cast %get3A_233 : i32 to index
      %get3A_235 = arith.index_cast %mul3A_53 : i32 to index
      %get3A_236 = tpu.vector_load %arg9[%get3A_234, %get3A_235] {strides = array<i32>} : memref<13x512xf32, #tpu.memory_space<vmem>>, vector<16xf32>,
      %mul3A_237 = vector.broadcast %squeeze3A_30 : f32 to vector<16xf32>
      %mul3A_238 = arith.mulf %get3A_236, %mul3A_237 : vector<16xf32>
      %add3A_239 = arith.addf %add3A_232, %mul3A_238 : vector<16xf32>
      %get3A_240 = arith.constant 8 : i32
      %get3A_241 = arith.index_cast %get3A_240 : i32 to index
      %get3A_242 = arith.index_cast %mul3A_53 : i32 to index
      %get3A_243 = tpu.vector_load %arg9[%get3A_241, %get3A_242] {strides = array<i32>} : memref<13x512xf32, #tpu.memory_space<vmem>>, vector<16xf32>,
      %mul3A_244 = vector.broadcast %squeeze3A_32 : f32 to vector<16xf32>
      %mul3A_245 = arith.mulf %get3A_243, %mul3A_244 : vector<16xf32>
      %add3A_246 = arith.addf %add3A_239, %mul3A_245 : vector<16xf32>
      %get3A_247 = arith.constant 9 : i32
      %get3A_248 = arith.index_cast %get3A_247 : i32 to index
      %get3A_249 = arith.index_cast %mul3A_53 : i32 to index
      %get3A_250 = tpu.vector_load %arg9[%get3A_248, %get3A_249] {strides = array<i32>} : memref<13x512xf32, #tpu.memory_space<vmem>>, vector<16xf32>,
      %mul3A_251 = vector.broadcast %squeeze3A_34 : f32 to vector<16xf32>
      %mul3A_252 = arith.mulf %get3A_250, %mul3A_251 : vector<16xf32>
      %add3A_253 = arith.addf %add3A_246, %mul3A_252 : vector<16xf32>
      %get3A_254 = arith.constant 10 : i32
      %get3A_255 = arith.index_cast %get3A_254 : i32 to index
      %get3A_256 = arith.index_cast %mul3A_53 : i32 to index
      %get3A_257 = tpu.vector_load %arg9[%get3A_255, %get3A_256] {strides = array<i32>} : memref<13x512xf32, #tpu.memory_space<vmem>>, vector<16xf32>,
      %mul3A_258 = vector.broadcast %squeeze3A_36 : f32 to vector<16xf32>
      %mul3A_259 = arith.mulf %get3A_257, %mul3A_258 : vector<16xf32>
      %add3A_260 = arith.addf %add3A_253, %mul3A_259 : vector<16xf32>
      %get3A_261 = arith.constant 11 : i32
      %get3A_262 = arith.index_cast %get3A_261 : i32 to index
      %get3A_263 = arith.index_cast %mul3A_53 : i32 to index
      %get3A_264 = tpu.vector_load %arg9[%get3A_262, %get3A_263] {strides = array<i32>} : memref<13x512xf32, #tpu.memory_space<vmem>>, vector<16xf32>,
      %mul3A_265 = vector.broadcast %squeeze3A_38 : f32 to vector<16xf32>
      %mul3A_266 = arith.mulf %get3A_264, %mul3A_265 : vector<16xf32>
      %add3A_267 = arith.addf %add3A_260, %mul3A_266 : vector<16xf32>
      %get3A_268 = arith.constant 12 : i32
      %get3A_269 = arith.index_cast %get3A_268 : i32 to index
      %get3A_270 = arith.index_cast %mul3A_53 : i32 to index
      %get3A_271 = tpu.vector_load %arg9[%get3A_269, %get3A_270] {strides = array<i32>} : memref<13x512xf32, #tpu.memory_space<vmem>>, vector<16xf32>,
      %mul3A_272 = vector.broadcast %squeeze3A_40 : f32 to vector<16xf32>
      %mul3A_273 = arith.mulf %get3A_271, %mul3A_272 : vector<16xf32>
      %add3A_274 = arith.addf %add3A_267, %mul3A_273 : vector<16xf32>
      %swap3A = arith.index_cast %mul3A_53 : i32 to index
      %swap3A_275 = tpu.vector_load %arg13[%swap3A] {strides = array<i32>} : memref<512xf32, #tpu.memory_space<vmem>>, vector<16xf32>,
      tpu.vector_store %arg13[%swap3A], %add3A_274 {strides = array<i32>} : memref<512xf32, #tpu.memory_space<vmem>>, vector<16xf32>,
    }
    %scan3A_50 = arith.constant 32 : i32
    "tpu.region"() ({
      %run_scoped3A = tpu.sem_alloc : memref<!tpu.dma_semaphore, #tpu.memory_space<semaphore_mem>>
      %dma_start3A = tpu.memref_slice %arg7[%mul3A_2] : memref<16384xf32, #tpu.memory_space<hbm>> -> memref<512xf32, #tpu.memory_space<hbm>>
      %dma_start3A_51 = tpu.memref_slice %arg7[%mul3A_2] : memref<16384xf32, #tpu.memory_space<hbm>> -> memref<512xf32, #tpu.memory_space<hbm>>
      tpu.enqueue_dma source(%arg13 : memref<512xf32, #tpu.memory_space<vmem>>) target(%dma_start3A_51 : memref<512xf32, #tpu.memory_space<hbm>>) target_semaphore(%run_scoped3A : memref<!tpu.dma_semaphore, #tpu.memory_space<semaphore_mem>>)
      %dma_wait3A = tpu.memref_slice %arg7[%mul3A_2] : memref<16384xf32, #tpu.memory_space<hbm>> -> memref<512xf32, #tpu.memory_space<hbm>>
      %dma_wait3A_52 = tpu.memref_slice %arg7[%mul3A_2] : memref<16384xf32, #tpu.memory_space<hbm>> -> memref<512xf32, #tpu.memory_space<hbm>>
      tpu.wait_dma2 semaphore(%run_scoped3A : memref<!tpu.dma_semaphore, #tpu.memory_space<semaphore_mem>>) src(%arg13 : memref<512xf32, #tpu.memory_space<vmem>>) dst(%dma_wait3A_52 : memref<512xf32, #tpu.memory_space<hbm>>)
      tpu.yield
    }) : () -> ()
    return
  }
}

</mosaic_0001>

<sc_bundles>
// kernel: kernel.3.cloned.1.call-start
scs
__scs_entry_jumppad:
0x0: {  	(pc) =	sbr.rel $0x88, $3  }
0x1: {  	(tag) =	ssettag $0x0;
	lr =	simm.s32 $0x1  }
0x2: {  	[smem:$0x3F9C] =	sst lr;
	_ =	strace $0xD0000000  }
0x3: {  	_ = 	snop  }
0x4: {  	_ = 	snop  }
0x5: {  	_ = 	snop  }
0x6: {  	_ = 	snop  }
0x7: {  	_ = 	snop  }
__scs_overlays_trampoline_lowered:
0x8: {  	[smem:$0x3FAB] =	sst s0  }
0x9: {  	[smem:$0x3FAC] =	sst s1  }
0xa: {  	[smem:$0x3FAD] =	sst s2  }
0xb: {  	[smem:$0x3FAE] =	sst s3  }
0xc: {  	[smem:$0x3FAF] =	sst s4  }
0xd: {  	[smem:$0x3FB0] =	sst s5  }
0xe: {  	[smem:$0x3FB1] =	sst s6  }
0xf: {  	[smem:$0x3FB2] =	sst s7  }
0x10: {  	[smem:$0x3FB3] =	sst s8  }
0x11: {  	[smem:$0x3FB4] =	sst s9;
	s0 =	simm.s32 @!p0 $0x0  }
0x12: {  	s1 =	sld [smem:$0x3F9A];
	s0 =	simm.s32 @p0 $0x1  }
0x13: {  	[smem:$0x3FB5] =	sst s0;
	s0 =	simm.s32 @!p1 $0x0  }
0x14: {  	s2 =	sld [smem:$0x3F99];
	s0 =	simm.s32 @p1 $0x1  }
0x15: {  	[smem:$0x3FB6] =	sst s0;
	s0 =	simm.s32 @!p2 $0x0  }
0x16: {  	s3 =	sld [smem:$0x3FDB];
	s0 =	simm.s32 @p2 $0x1  }
0x17: {  	s4 =	simm.s32 $0x1BF5;
	[smem:$0x3FB8] =	sst s0  }
0x18: {  	s0 =	sld [smem:$0x3F9B];
	_ =	swait.ge [sflag:s4], $0x0  }
0x19: {  	s7 =	sld [smem:$0x3F9C]  }
0x1a: {  	s8 =	sadd.s32 $0xFFFFE003, lr  }
0x1b: {  	s9 =	sadd.s32 $0xFFFFFEF7, lr;
	s5 =	simm.s32 $0xFFFFFFFF;
	p2 =	slt.u32 s8, $0xFFFFF086  }
0x1c: {  	p1 =	slt.u32 s9, $0xF7A;
	s5 =	simm.s32 @!p2 $0x0  }
0x1d: {  	s5 =	simm.s32 @p1 $0x1;
	p0 =	seq.s32 s7, s2  }
0x1e: {  	s7 =	smul.u32 @!p0 $0xF7A, s2;
	p2 =	seq.s32 @!p0 s5, $0x0  }
0x1f: {  	s9 =	smul.u32 $0xF7A, s1;
	s8 =	simm.s32 @!p0 $0x1BF5;
	p2 =	por !p2, p0  }
0x20: {  	[sflag:s8] =	ssyncset.s32 @!p0 $0xFFFFF086;
	s6 =	sadd.s32 @!p0 s3, s7;
	s7 =	simm.s32 @!p0 $0x108  }
0x21: {  	s3 =	sadd.s32 s3, s9;
	s6 =	sadd.s32 @!p0 $0x88, s6;
	s7 =	simm.s32 @p2 $0x1082  }
0x22: {  	[simem:s7], [sflag:s8] =	dma.local @!p0 [hbm:s6], $0xF7A  }
0x23: {  	s9 =	sor.u32 $0xD0000000, s2;
	s6 =	simm.s32 $0x108;
	_ =	swait.ge @!p0 [sflag:s8], $0x0  }
0x24: {  	s3 =	sadd.s32 $0x88, s3;
	s6 =	simm.s32 @!p1 $0x1082;
	[sflag:s4] =	ssyncset.s32 $0xFFFFF086  }
0x25: {  	[simem:s6], [sflag:s4] =	dma.local [hbm:s3], $0xF7A  }
0x26: {  	[smem:$0x3F9C] =	sst s1;
	(tag) =	ssettag s2;
	_ =	strace s9  }
0x27: {  	s1 =	sld [smem:$0x3FAC]  }
0x28: {  	s2 =	sld [smem:$0x3FAD]  }
0x29: {  	s4 =	sld [smem:$0x3FAF]  }
0x2a: {  	p0 =	seq.s32 s5, $0x0;
	s5 =	sld [smem:$0x3FB0]  }
0x2b: {  	s6 =	sld [smem:$0x3FB1]  }
0x2c: {  	s7 =	sld [smem:$0x3FB2]  }
0x2d: {  	s3 =	simm.s32 $0x108;
	s8 =	sld [smem:$0x3FB3]  }
0x2e: {  	s3 =	simm.s32 @!p0 $0x1082;
	s9 =	sld [smem:$0x3FB4]  }
0x2f: {  	lr =	sadd.s32 s0, s3;
	s0 =	sld [smem:$0x3FAB]  }
0x30: {  	s3 =	sld [smem:$0x3FAE]  }
0x31: {  	[smem:$0x3FB7] =	sst s10  }
0x32: {  	s10 =	sld [smem:$0x3FB5];
	_ =	sdelay $0x3  }
0x33: {  	p0 =	seq.s32 s10, $0x1;
	s10 =	sld [smem:$0x3FB7];
	_ =	sdelay $0x3  }
0x34: {  	[smem:$0x3FB7] =	sst s10  }
0x35: {  	s10 =	sld [smem:$0x3FB6];
	_ =	sdelay $0x3  }
0x36: {  	p1 =	seq.s32 s10, $0x1;
	s10 =	sld [smem:$0x3FB7];
	_ =	sdelay $0x3  }
0x37: {  	[smem:$0x3FB7] =	sst s10  }
0x38: {  	s10 =	sld [smem:$0x3FB8]  }
0x39: {  	_ = 	snop;
	(pc) =	sbr.ind lr, $3  }
0x3a: {  	_ = 	snop  }
0x3b: {  	_ = 	snop  }
0x3c: {  	p2 =	seq.s32 s10, $0x1;
	s10 =	sld [smem:$0x3FB7]  }
0x3d: {  	_ =	shalt  }
0x3e: {  	_ =	shalt  }
0x3f: {  	_ =	shalt  }
0x40: {  	_ =	shalt  }
0x41: {  	_ =	shalt  }
0x42: {  	_ =	shalt  }
0x43: {  	_ =	shalt  }
0x44: {  	_ =	shalt  }
0x45: {  	_ =	shalt  }
0x46: {  	_ =	shalt  }
0x47: {  	_ =	shalt  }
0x48: {  	_ =	shalt  }
0x49: {  	_ =	shalt  }
0x4a: {  	_ =	shalt  }
0x4b: {  	_ =	shalt  }
0x4c: {  	_ =	shalt  }
0x4d: {  	_ =	shalt  }
0x4e: {  	_ =	shalt  }
0x4f: {  	_ =	shalt  }
0x50: {  	_ =	shalt  }
0x51: {  	_ =	shalt  }
0x52: {  	_ =	shalt  }
0x53: {  	_ =	shalt  }
0x54: {  	_ =	shalt  }
0x55: {  	_ =	shalt  }
0x56: {  	_ =	shalt  }
0x57: {  	_ =	shalt  }
0x58: {  	_ =	shalt  }
0x59: {  	_ =	shalt  }
0x5a: {  	_ =	shalt  }
0x5b: {  	_ =	shalt  }
0x5c: {  	_ =	shalt  }
0x5d: {  	_ =	shalt  }
0x5e: {  	_ =	shalt  }
0x5f: {  	_ =	shalt  }
0x60: {  	_ =	shalt  }
0x61: {  	_ =	shalt  }
0x62: {  	_ =	shalt  }
0x63: {  	_ =	shalt  }
0x64: {  	_ =	shalt  }
0x65: {  	_ =	shalt  }
0x66: {  	_ =	shalt  }
0x67: {  	_ =	shalt  }
0x68: {  	_ =	shalt  }
0x69: {  	_ =	shalt  }
0x6a: {  	_ =	shalt  }
0x6b: {  	_ =	shalt  }
0x6c: {  	_ =	shalt  }
0x6d: {  	_ =	shalt  }
0x6e: {  	_ =	shalt  }
0x6f: {  	_ =	shalt  }
0x70: {  	_ =	shalt  }
0x71: {  	_ =	shalt  }
0x72: {  	_ =	shalt  }
0x73: {  	_ =	shalt  }
0x74: {  	_ =	shalt  }
0x75: {  	_ =	shalt  }
0x76: {  	_ =	shalt  }
0x77: {  	_ =	shalt  }
0x78: {  	_ =	shalt  }
0x79: {  	_ =	shalt  }
0x7a: {  	_ =	shalt  }
0x7b: {  	_ =	shalt  }
0x7c: {  	_ =	shalt  }
0x7d: {  	_ =	shalt  }
0x7e: {  	_ =	shalt  }
0x7f: {  	_ =	shalt  }
0x80: {  	_ =	shalt  }
0x81: {  	_ =	shalt  }
0x82: {  	_ =	shalt  }
0x83: {  	_ =	shalt  }
0x84: {  	_ =	shalt  }
0x85: {  	_ =	shalt  }
0x86: {  	_ =	shalt  }
0x87: {  	_ =	shalt  }
.Lfunc_end0:
.L_simem_size_0:
called_computation_lowered:
.L_overlay_start_0:
0x88: {  	s2 =	sld [smem:$0x3FD9]  }
0x89: {  	s3 =	sld [smem:$0x3FFE];
	_ =	sdelay $0x1  }
0x8a: {  	s1 =	srdreg.scid  }
0x8b: {  	s0 =	sand.u32 $0x1, s1  }
0x8c: {  	s18 =	sshll.u32 s0, $0xA;
	s2 =	sadd.s32 s3, s2  }
0x8d: {  	s2 =	sadd.s32 s2, s18  }
0x8e: {  	[smem:$0x3FC3] =	sst s2  }
0x8f: {  	_ = 	snop  }
0x90: {  	s2 =	sld [smem:$0x3FC9]  }
0x91: {  	s19 =	sld [smem:$0x3FC8]  }
0x92: {  	s4 =	sld [smem:$0x3FC7]  }
0x93: {  	s5 =	sld [smem:$0x3FC6]  }
0x94: {  	s6 =	sld [smem:$0x3FC5]  }
0x95: {  	s7 =	sld [smem:$0x3FD0];
	(tm) =	ssettm $0x1  }
0x96: {  	s8 =	sld [smem:$0x3FFB];
	_ =	sdelay $0x3  }
0x97: {  	_ =	strace s8  }
0x98: {  	s8 =	sld [smem:$0x3FFC];
	_ =	sdelay $0x3  }
0x99: {  	_ =	strace s8  }
0x9a: {  	s8 =	sld [smem:$0x3FFD];
	_ =	sdelay $0x3  }
0x9b: {  	_ =	strace s8  }
0x9c: {  	_ =	strace $0x8FFFFFFF  }
0x9d: {  	s20 =	sld [smem:$0x3FDB];
	_ =	sdelay $0x1  }
0x9e: {  	s9 =	simm.s32 $_scs_section_size  }
0x9f: {  	s10 =	simm.s32 $_size__tile_overlayer_lowered;
	s11 =	simm.s32 $_tile_overlayer_lowered  }
0xa0: {  	s23 =	simm.s32 $0x1BFF;
	s22 =	sshll.u32 s11, $0x1;
	s8 =	sadd.s32 s9, s20  }
0xa1: {  	s12 =	simm.s32 $0x0;
	s21 =	sshll.u32 s10, $0x1;
	s10 =	sadd.s32 s22, s8  }
0xa2: {  	[timem:s12], [sflag:s23] =	dma.local [hbm:s10], s21  }
0xa3: {  	_ =	swait.ge [sflag:s23], s21  }
0xa4: {  	s9 =	ssub.s32 $0x0, s21;
	[sflag:s23] =	ssyncset.done $0x0  }
0xa5: {  	[sflag:s23] =	ssyncadd.s32 s9;
	_ =	sdelay $0x1  }
0xa6: {  	s24 =	simm.s32 $0x1B8B  }
0xa7: {  	_ =	swait.ge [sflag:s24], $0x1  }
0xa8: {  	[sflag:s24] =	ssyncset.done $0x0  }
0xa9: {  	s25 =	simm.s32 $0x1B8E;
	[sflag:s24] =	ssyncadd.s32 $0xFFFFFFFF  }
0xaa: {  	s26 =	simm.s32 $execute0_lowered;
	[smem:$0x3FD2] =	sst s25  }
0xab: {  	s9 =	sshll.u32 s26, $0x1;
	_ =	strace $0x80000046;
	[dreg:$0x1] =	wrdreg $0xFFFFFFFF  }
0xac: {  	s28 =	simm.s32 $_size_execute0_lowered;
	s8 =	sadd.s32 s8, s9;
	[dreg:$0x0] =	wrdreg $0x0  }
0xad: {  	s9 =	sshll.u32 s28, $0x1;
	[dreg:$0x2] =	wrdreg s8  }
0xae: {  	[dreg:$0x3] =	wrdreg s9  }
0xaf: {  	[dreg:$0x4] =	wrdreg $0xC0  }
0xb0: {  	_ =	task [dreg:s12], $0x5FFFF  }
0xb1: {  	[dreg:$0x1] =	wrdreg $0xFFFFFFFF  }
0xb2: {  	[dreg:$0x0] =	wrdreg $0x60  }
0xb3: {  	[dreg:$0x2] =	wrdreg s2  }
0xb4: {  	[dreg:$0x3] =	wrdreg s19  }
0xb5: {  	[dreg:$0x4] =	wrdreg s4  }
0xb6: {  	[dreg:$0x5] =	wrdreg s6  }
0xb7: {  	[dreg:$0x6] =	wrdreg s5  }
0xb8: {  	[dreg:$0x7] =	wrdreg s7  }
0xb9: {  	[dreg:$0x8] =	wrdreg $0x9  }
0xba: {  	_ =	task.clear_ibuf [dreg:s12], $0x9FFFF;
	_ =	strace $0x90000046  }
0xbb: {  	s29 =	simm.s32 $0x9;
	_ =	strace $0x80000048  }
0xbc: {  	_ =	swait.ge [sflag:s29], $0x1  }
0xbd: {  	[sflag:s29] =	ssyncadd.s32 $0xFFFFFFFF  }
0xbe: {  	_ =	strace $0x90000048  }
0xbf: {  	_ =	sfence  }
0xc0: {  	s30 =	sld [smem:$0x0];
	_ =	sdelay $0x2  }
0xc1: {  	s31 =	sshll.u32 s1, $0xD;
	s1 =	sshrl.u32 s1, $0x2  }
0xc2: {  	s3 =	sand.u32 $0x4000, s31;
	s1 =	sadd.s32 s1, s30  }
0xc3: {  	s0 =	sor.u32 s3, s0;
	s1 =	sshll.u32 s1, $0x11  }
0xc4: {  	s0 =	sor.u32 s1, s0  }
0xc5: {  	s0 =	sadd.s32 $0x8F2B, s0  }
0xc6: {  	[sflag:s0] =	ssyncadd.remote.s32 $0x1  }
0xc7: {  	_ =	sfence.sel $0xFFFF  }
0xc8: {  	[dreg:$0x0] =	wrdreg $0xFFFFFFFF;
	(pc) =	sbr.abs _section_cstart, $3  }
0xc9: {  	[dreg:$0x1] =	wrdreg $0xFFFFFFFF  }
0xca: {  	_ =	task.clear_ibuf [dreg:s12], $0x2FFFF;
	_ =	strace $0x9FFFFFFF  }
0xcb: {  	(tm) =	ssettm $0x7FFFFFFF  }
tec
execute0_lowered:
.L_overlay_start_1:
0x0: {  	(tag) =	ssettag $0x1  }
0x1: {  	s6 =	rddreg [dreg:$0x0]  }
0x2: {  	s7 =	rddreg [dreg:$0x1]  }
0x3: {  	s1 =	rddreg [dreg:$0x2]  }
0x4: {  	s2 =	rddreg [dreg:$0x3]  }
0x5: {  	s3 =	rddreg [dreg:$0x4]  }
0x6: {  	s8 =	rddreg [dreg:$0x5];
	s4 =	srdreg.scid  }
0x7: {  	s0 =	rddreg [dreg:$0x6];
	s5 =	simm.s32 $0x0;
	s13 =	simm.s32 $0x4000  }
0x8: {  	s14 =	simm.s32 $0x6000;
	s15 =	simm.s32 $0x6080;
	s16 =	simm.s32 $0x80  }
0x9: {  	s17 =	simm.s32 $0x1;
	s18 =	simm.s32 $0xA100;
	s19 =	simm.s32 $0x0  }
0xa: {  	s9 =	sand.u32 $0x1, s4;
	[smem:$0x7FF] =	sst s5;
	s4 =	stileid.u32  }
0xb: {  	s10 =	ssub.s32 $0x2, s9;
	s12 =	sshll.u32 s4, $0xA;
	s9 =	sshll.u32 s9, $0x9  }
0xc: {  	_ =	strace $0x80000047;
	s11 =	sshrl.u32 s10, $0x1;
	s9 =	sor.u32 s9, s12  }
0xd: {  	s12 =	simm.s32 $0x2;
	s10 =	ssub.s32 s10, s11;
	s6 =	sadd.s32 s6, s9  }
0xe: {  	s7 =	sadd.s32 s7, s9;
	s9 =	sshrl.u32 s9, $0x3;
	s11 =	simm.s32 $0x20000  }
0xf: {  	s8 =	sadd.s32 s8, s9;
	s9 =	smax.u32 s10, $0x1;
	s10 =	simm.s32 $0x1000  }
.LBB2_1:
0x10: {  	[tilespmem:s5], [sflag:$0x2] =	stream.strided.gather [hbm4b:s6+s10], $0x4000, s11, s10, $0x38;
	[tilespmem:$0xA300] =	vst v63  }
0x11: {  	_ =	swait.ge [sflag:s12], $0x4000  }
0x12: {  	[sflag:s12] =	ssyncset.done $0x0  }
0x13: {  	[sflag:s12] =	ssyncadd.s32 $0xFFFFC000  }
0x14: {  	[tilespmem:s13], [sflag:$0x2] =	stream.strided.gather [hbm4b:s7+s10], $0x2000, s11, s10, $0x38;
	[tilespmem:$0xA300] =	vst v63  }
0x15: {  	_ =	swait.ge [sflag:s12], $0x2000  }
0x16: {  	[sflag:s12] =	ssyncset.done $0x0  }
0x17: {  	s20 =	sand.u32 $0x3000, s5;
	[sflag:s12] =	ssyncadd.s32 $0xFFFFE000  }
0x18: {  	[tilespmem:s14], [sflag:$0x2] =	stream.linear.gather [hbm4b:s2+s5], $0xD, $0x38;
	[tilespmem:$0xA300] =	vst v63  }
0x19: {  	s21 =	sand.u32 $0xC00, s5;
	s22 =	simm.s32 $0x0;
	_ =	swait.ge [sflag:s12], $0xD  }
0x1a: {  	s23 =	simm.s32 $0x0;
	s20 =	sor.u32 s21, s20;
	[sflag:s12] =	ssyncset.done $0x0  }
0x1b: {  	s31 =	sand.u32 $0x380, s23;
	s22 =	smul.u32 $0x1388, s22;
	[sflag:s12] =	ssyncadd.s32 $0xFFFFFFF3  }
0x1c: {  	[tilespmem:s15], [sflag:$0x2] =	stream.linear.gather [hbm4b:s3+s5], $0x1, $0x38;
	[tilespmem:$0xA300] =	vst v63  }
0x1d: {  	s21 =	simm.s32 $0x1;
	s23 =	sor.u32 s31, s20;
	_ =	swait.ge [sflag:s12], $0x1  }
0x1e: {  	s20 =	simm.s32 $0x80;
	s24 =	sadd.s32 $0x6100, s23;
	[sflag:s12] =	ssyncset.done $0x0  }
0x1f: {  	s25 =	sadd.s32 s1, s22;
	s22 =	simm.s32 $0x400;
	[sflag:s12] =	ssyncadd.s32 $0xFFFFFFFF  }
.LBB2_2:
0x20: {  	[tilespmem:s24], [sflag:$0x1] =	stream.indirect.gather [hbm4b:s25+s16], $0x1, s23, s16, $0xb8;
	[tilespmem:$0xA300] =	vst v63  }
0x21: {  	p0 =	sne.s32 s21, $0x67  }
.Ltmp0:
0x22: {  	s23 =	sand.u32 $0x3000, s20;
	(pc) =	sbr.rel @p0 .LBB2_2-.Ltmp0, $4  }
0x23: {  	s24 =	sand.u32 $0xC00, s22;
	s25 =	sshrl.u32 s21, $0x2;
	s26 =	sshll.u32 s21, $0x5  }
0x24: {  	s23 =	sor.u32 s24, s23;
	s24 =	sand.u32 $0x380, s26;
	s25 =	smul.u32 $0x1388, s25  }
0x25: {  	s20 =	sadd.s32 $0x80, s20;
	s21 =	sadd.s32 $0x1, s21;
	s23 =	sor.u32 s24, s23  }
0x26: {  	s22 =	sadd.s32 $0x400, s22;
	s24 =	sadd.s32 $0x6100, s23;
	s25 =	sadd.s32 s1, s25  }
0x27: {  	[tilespmem:s24], [sflag:$0x1] =	stream.indirect.gather [hbm4b:s25+s16], $0x1, s23, s16, $0xb8;
	[tilespmem:$0xA300] =	vst v63  }
0x28: {  	_ =	swait.ge [sflag:s17], $0x80  }
0x29: {  	s20 =	simm.s32 $0x67;
	[sflag:s17] =	ssyncset.done $0x0  }
.LBB2_4:
0x2a: {  	p0 =	sne.s32 s20, $0x1;
	s20 =	sadd.s32 $0xFFFFFFFF, s20;
	[sflag:s17] =	ssyncadd.s32 $0xFFFFFF80  }
.Ltmp1:
0x2b: {  	(pc) =	sbr.rel @p0 .LBB2_4-.Ltmp1, $3  }
0x2c: {  	_ =	sdelay $0x1  }
0x2d: {  	_ =	swait.ge [sflag:s17], $0x80  }
0x2e: {  	[sflag:s17] =	ssyncset.done $0x0  }
0x2f: {  	s21 =	simm.s32 $0x0  }
0x30: {  	[sflag:s17] =	ssyncadd.s32 $0xFFFFFF80;
	s20 =	sand.u32 $0x70, s21;
	s22 =	sand.u32 $0xC00, s21  }
0x31: {  	v0 =	vld.msk [tilespmem:$0x6080 ss:$0x0], $0xffff;
	s20 =	sor.u32 s20, s22  }
0x32: {  	v1 =	vld [tilespmem:s20+$0x6100];
	_ =	sdelay $0x1  }
0x33: {  	v2 =	vld [tilespmem:s20+$0x6180]  }
0x34: {  	s29 =	sand.u32 $0xFFFFFC00, s21  }
0x35: {  	s23 =	sadd.s32 $0x0, s29;
	v3 =	vld [tilespmem:s20+$0x6200]  }
0x36: {  	s24 =	sor.u32 $0x180, s23;
	v1 =	vadd.f32 v1, v0  }
0x37: {  	v4 =	vld [tilespmem:s24+$0x6100]  }
0x38: {  	v1 =	vadd.f32 v2, v1  }
0x39: {  	v2 =	vld [tilespmem:s20+$0x6300]  }
0x3a: {  	v1 =	vadd.f32 v3, v1  }
0x3b: {  	v3 =	vld [tilespmem:s20+$0x6380]  }
0x3c: {  	v1 =	vadd.f32 v4, v1  }
0x3d: {  	s21 =	sor.u32 s21, s21;
	v4 =	vld [tilespmem:s20+$0x6400]  }
0x3e: {  	s30 =	sor.u32 $0x380, s21;
	v1 =	vadd.f32 v2, v1  }
0x3f: {  	v2 =	vld [tilespmem:s30+$0x6100]  }
0x40: {  	v1 =	vadd.f32 v3, v1  }
0x41: {  	v3 =	vld [tilespmem:s20+$0x7100]  }
0x42: {  	v1 =	vadd.f32 v4, v1  }
0x43: {  	v4 =	vld [tilespmem:s20+$0x7180]  }
0x44: {  	v1 =	vadd.f32 v2, v1  }
0x45: {  	v2 =	vld [tilespmem:s20+$0x7200]  }
0x46: {  	s31 =	sor.u32 $0x1180, s23;
	v1 =	vadd.f32 v3, v1  }
0x47: {  	v3 =	vld [tilespmem:s31+$0x6100]  }
0x48: {  	v1 =	vadd.f32 v4, v1  }
0x49: {  	v4 =	vld [tilespmem:s20+$0x7300]  }
0x4a: {  	v1 =	vadd.f32 v2, v1  }
0x4b: {  	v2 =	vld [tilespmem:s20+$0x7380]  }
0x4c: {  	v1 =	vadd.f32 v3, v1  }
0x4d: {  	v3 =	vld [tilespmem:s20+$0x7400]  }
0x4e: {  	v1 =	vadd.f32 v4, v1  }
0x4f: {  	v4 =	vld [tilespmem:s20+$0x7480]  }
0x50: {  	v1 =	vadd.f32 v2, v1  }
0x51: {  	v2 =	vld [tilespmem:s20+$0x8100]  }
0x52: {  	v1 =	vadd.f32 v3, v1  }
0x53: {  	v3 =	vld [tilespmem:s20+$0x8180]  }
0x54: {  	v1 =	vadd.f32 v4, v1  }
0x55: {  	v4 =	vld [tilespmem:s20+$0x8200]  }
0x56: {  	v1 =	vadd.f32 v2, v1  }
0x57: {  	v2 =	vld [tilespmem:s20+$0x8280]  }
0x58: {  	v1 =	vadd.f32 v3, v1  }
0x59: {  	v3 =	vld [tilespmem:s20+$0x8300]  }
0x5a: {  	v1 =	vadd.f32 v4, v1  }
0x5b: {  	v4 =	vld [tilespmem:s20+$0x8380]  }
0x5c: {  	v1 =	vadd.f32 v2, v1  }
0x5d: {  	v2 =	vld [tilespmem:s20+$0x8400]  }
0x5e: {  	v1 =	vadd.f32 v3, v1  }
0x5f: {  	v3 =	vld [tilespmem:s20+$0x8480]  }
0x60: {  	v13 =	vld [tilespmem:$0x6000];
	v1 =	vadd.f32 v4, v1  }
0x61: {  	v4 =	vld [tilespmem:s20+$0x9100]  }
0x62: {  	v5 =	vld [tilespmem:s20+$0x9180];
	v1 =	vadd.f32 v2, v1  }
0x63: {  	v6 =	vld [tilespmem:s20+$0x4000]  }
0x64: {  	v2 =	vadd.f32 v3, v1  }
0x65: {  	v7 =	vld [tilespmem:s20+$0x4080]  }
0x66: {  	v1 =	vbroadcast v13, $0x0;
	v3 =	vadd.f32 v4, v2  }
0x67: {  	v8 =	vld [tilespmem:s20+$0x4100]  }
0x68: {  	v2 =	vbroadcast v13, $0x1;
	v4 =	vadd.f32 v5, v3;
	v5 =	vmul.f32 v6, v1  }
0x69: {  	v6 =	vld [tilespmem:s24+$0x4000]  }
0x6a: {  	v3 =	vbroadcast v13, $0x2;
	v7 =	vmul.f32 v7, v2;
	v5 =	vadd.f32 v5, v4  }
0x6b: {  	v9 =	vld [tilespmem:s20+$0x4200]  }
0x6c: {  	v4 =	vbroadcast v13, $0x3;
	v8 =	vmul.f32 v8, v3;
	v7 =	vadd.f32 v7, v5  }
0x6d: {  	v10 =	vld [tilespmem:s20+$0x4280]  }
0x6e: {  	v5 =	vbroadcast v13, $0x4;
	v7 =	vadd.f32 v8, v7;
	v8 =	vmul.f32 v6, v4  }
0x6f: {  	v11 =	vld [tilespmem:s20+$0x4300]  }
0x70: {  	v6 =	vbroadcast v13, $0x5;
	v9 =	vmul.f32 v9, v5;
	v8 =	vadd.f32 v8, v7  }
0x71: {  	v12 =	vld [tilespmem:s30+$0x4000]  }
0x72: {  	v7 =	vbroadcast v13, $0x6;
	v10 =	vmul.f32 v10, v6;
	v9 =	vadd.f32 v9, v8  }
0x73: {  	v14 =	vld [tilespmem:s20+$0x5000]  }
0x74: {  	v8 =	vbroadcast v13, $0x7;
	v11 =	vmul.f32 v11, v7;
	v10 =	vadd.f32 v10, v9  }
0x75: {  	v15 =	vld [tilespmem:s20+$0x5080]  }
0x76: {  	v9 =	vbroadcast v13, $0x8;
	v12 =	vmul.f32 v12, v8;
	v11 =	vadd.f32 v11, v10  }
0x77: {  	v16 =	vld [tilespmem:s20+$0x5100]  }
0x78: {  	v10 =	vbroadcast v13, $0x9;
	v14 =	vmul.f32 v14, v9;
	v12 =	vadd.f32 v12, v11  }
0x79: {  	v17 =	vld [tilespmem:s31+$0x4000]  }
0x7a: {  	v11 =	vbroadcast v13, $0xA;
	v15 =	vmul.f32 v15, v10;
	v14 =	vadd.f32 v14, v12  }
0x7b: {  	v18 =	vld [tilespmem:s20+$0x5200]  }
0x7c: {  	v12 =	vbroadcast v13, $0xB;
	v14 =	vadd.f32 v15, v14;
	v15 =	vmul.f32 v16, v11;
	_ =	sdelay $0x1  }
0x7d: {  	v13 =	vbroadcast v13, $0xC;
	v14 =	vadd.f32 v15, v14;
	v15 =	vmul.f32 v17, v12;
	_ =	sdelay $0x1  }
0x7e: {  	v14 =	vadd.f32 v15, v14;
	v15 =	vmul.f32 v18, v13  }
0x7f: {  	s22 =	simm.s32 $0x80  }
0x80: {  	s21 =	simm.s32 $0x10;
	s25 =	sand.u32 $0xC00, s22;
	v14 =	vadd.f32 v15, v14  }
0x81: {  	s23 =	simm.s32 $0x20;
	s20 =	simm.s32 $0xA100;
	s24 =	sand.u32 $0x70, s21  }
.LBB2_6:
0x82: {  	p0 =	sne.s32 s23, $0x1F0;
	s24 =	sor.u32 s24, s25;
	[tilespmem:s20+$0x0] =	vst v14  }
0x83: {  	v14 =	vld [tilespmem:s24+$0x6100];
	_ =	sdelay $0x1  }
0x84: {  	v15 =	vld [tilespmem:s24+$0x6180]  }
0x85: {  	s25 =	sand.u32 $0xFFFFFC00, s22  }
0x86: {  	s25 =	sadd.s32 s25, s21;
	v16 =	vld [tilespmem:s24+$0x6200]  }
0x87: {  	s28 =	sor.u32 $0x180, s25;
	v14 =	vadd.f32 v14, v0  }
0x88: {  	v17 =	vld [tilespmem:s28+$0x6100]  }
0x89: {  	v14 =	vadd.f32 v15, v14  }
0x8a: {  	v15 =	vld [tilespmem:s24+$0x6300]  }
0x8b: {  	v14 =	vadd.f32 v16, v14  }
0x8c: {  	v16 =	vld [tilespmem:s24+$0x6380]  }
0x8d: {  	v14 =	vadd.f32 v17, v14  }
0x8e: {  	s26 =	sor.u32 s22, s21;
	s21 =	smov.u32 s23;
	v17 =	vld [tilespmem:s24+$0x6400]  }
0x8f: {  	s26 =	sor.u32 $0x380, s26;
	v14 =	vadd.f32 v15, v14  }
0x90: {  	v15 =	vld [tilespmem:s26+$0x6100]  }
0x91: {  	v14 =	vadd.f32 v16, v14  }
0x92: {  	v16 =	vld [tilespmem:s24+$0x7100]  }
0x93: {  	v14 =	vadd.f32 v17, v14  }
0x94: {  	v17 =	vld [tilespmem:s24+$0x7180]  }
0x95: {  	v14 =	vadd.f32 v15, v14  }
0x96: {  	v15 =	vld [tilespmem:s24+$0x7200]  }
0x97: {  	s25 =	sor.u32 $0x1180, s25;
	v14 =	vadd.f32 v16, v14  }
0x98: {  	v16 =	vld [tilespmem:s25+$0x6100]  }
0x99: {  	v14 =	vadd.f32 v17, v14  }
0x9a: {  	v17 =	vld [tilespmem:s24+$0x7300]  }
0x9b: {  	v14 =	vadd.f32 v15, v14  }
0x9c: {  	v15 =	vld [tilespmem:s24+$0x7380]  }
0x9d: {  	v14 =	vadd.f32 v16, v14  }
0x9e: {  	v16 =	vld [tilespmem:s24+$0x7400]  }
0x9f: {  	v14 =	vadd.f32 v17, v14  }
0xa0: {  	v17 =	vld [tilespmem:s24+$0x7480]  }
0xa1: {  	v14 =	vadd.f32 v15, v14  }
0xa2: {  	v15 =	vld [tilespmem:s24+$0x8100]  }
0xa3: {  	v14 =	vadd.f32 v16, v14  }
0xa4: {  	v16 =	vld [tilespmem:s24+$0x8180]  }
0xa5: {  	v14 =	vadd.f32 v17, v14  }
0xa6: {  	v17 =	vld [tilespmem:s24+$0x8200]  }
0xa7: {  	v14 =	vadd.f32 v15, v14  }
0xa8: {  	v15 =	vld [tilespmem:s24+$0x8280]  }
0xa9: {  	v14 =	vadd.f32 v16, v14  }
0xaa: {  	v16 =	vld [tilespmem:s24+$0x8300]  }
0xab: {  	v14 =	vadd.f32 v17, v14  }
0xac: {  	v17 =	vld [tilespmem:s24+$0x8380]  }
0xad: {  	v14 =	vadd.f32 v15, v14  }
0xae: {  	v15 =	vld [tilespmem:s24+$0x8400]  }
0xaf: {  	v14 =	vadd.f32 v16, v14  }
0xb0: {  	v16 =	vld [tilespmem:s24+$0x8480]  }
0xb1: {  	v14 =	vadd.f32 v17, v14  }
0xb2: {  	v17 =	vld [tilespmem:s24+$0x9100]  }
0xb3: {  	v14 =	vadd.f32 v15, v14;
	v15 =	vld [tilespmem:s24+$0x9180]  }
0xb4: {  	v18 =	vld [tilespmem:s24+$0x4000]  }
0xb5: {  	v14 =	vadd.f32 v16, v14  }
0xb6: {  	v16 =	vld [tilespmem:s24+$0x4080]  }
0xb7: {  	v14 =	vadd.f32 v17, v14  }
0xb8: {  	v17 =	vld [tilespmem:s24+$0x4100]  }
0xb9: {  	v14 =	vadd.f32 v15, v14;
	v15 =	vmul.f32 v18, v1  }
0xba: {  	v18 =	vld [tilespmem:s28+$0x4000]  }
0xbb: {  	v14 =	vadd.f32 v15, v14;
	v15 =	vmul.f32 v16, v2  }
0xbc: {  	v16 =	vld [tilespmem:s24+$0x4200]  }
0xbd: {  	v14 =	vadd.f32 v15, v14;
	v15 =	vmul.f32 v17, v3  }
0xbe: {  	v17 =	vld [tilespmem:s24+$0x4280]  }
0xbf: {  	v14 =	vadd.f32 v15, v14;
	v15 =	vmul.f32 v18, v4  }
0xc0: {  	v18 =	vld [tilespmem:s24+$0x4300]  }
0xc1: {  	v14 =	vadd.f32 v15, v14;
	v15 =	vmul.f32 v16, v5  }
0xc2: {  	v16 =	vld [tilespmem:s26+$0x4000]  }
0xc3: {  	v14 =	vadd.f32 v15, v14;
	v15 =	vmul.f32 v17, v6  }
0xc4: {  	v17 =	vld [tilespmem:s24+$0x5000]  }
0xc5: {  	v14 =	vadd.f32 v15, v14;
	v15 =	vmul.f32 v18, v7  }
0xc6: {  	v18 =	vld [tilespmem:s24+$0x5080]  }
0xc7: {  	v14 =	vadd.f32 v15, v14;
	v15 =	vmul.f32 v16, v8  }
0xc8: {  	v16 =	vld [tilespmem:s24+$0x5100]  }
0xc9: {  	v14 =	vadd.f32 v15, v14;
	v15 =	vmul.f32 v17, v9  }
0xca: {  	v17 =	vld [tilespmem:s25+$0x4000]  }
0xcb: {  	v14 =	vadd.f32 v15, v14;
	v15 =	vmul.f32 v18, v10  }
0xcc: {  	v18 =	vld [tilespmem:s24+$0x5200]  }
0xcd: {  	v14 =	vadd.f32 v15, v14;
	v15 =	vmul.f32 v16, v11;
	_ =	sdelay $0x1  }
0xce: {  	v14 =	vadd.f32 v15, v14;
	v15 =	vmul.f32 v17, v12  }
.Ltmp2:
0xcf: {  	(pc) =	sbr.rel @p0 .LBB2_6-.Ltmp2, $3  }
0xd0: {  	v14 =	vadd.f32 v15, v14;
	v15 =	vmul.f32 v18, v13;
	_ =	sdelay $0x1  }
0xd1: {  	s22 =	sadd.s32 $0x80, s22;
	s20 =	sadd.s32 $0x10, s20;
	v14 =	vadd.f32 v15, v14  }
0xd2: {  	s23 =	sadd.s32 $0x10, s23;
	s25 =	sand.u32 $0xC00, s22;
	s24 =	sand.u32 $0x70, s21  }
0xd3: {  	s23 =	sor.u32 s24, s25;
	[tilespmem:s20+$0x0] =	vst v14  }
0xd4: {  	v14 =	vld [tilespmem:s23+$0x6100];
	_ =	sdelay $0x1  }
0xd5: {  	v15 =	vld [tilespmem:s23+$0x6180]  }
0xd6: {  	s26 =	sand.u32 $0xFFFFFC00, s22  }
0xd7: {  	v16 =	vld [tilespmem:s23+$0x6200];
	s24 =	sadd.s32 s26, s21  }
0xd8: {  	s28 =	sor.u32 $0x180, s24;
	v0 =	vadd.f32 v14, v0  }
0xd9: {  	v61 =	vld [tilespmem:s28+$0x6100]  }
0xda: {  	v0 =	vadd.f32 v15, v0  }
0xdb: {  	v62 =	vld [tilespmem:s23+$0x6300]  }
0xdc: {  	v0 =	vadd.f32 v16, v0  }
0xdd: {  	v63 =	vld [tilespmem:s23+$0x6380]  }
0xde: {  	v0 =	vadd.f32 v61, v0  }
0xdf: {  	s29 =	sor.u32 s22, s21;
	v20 =	vld [tilespmem:s23+$0x6400]  }
0xe0: {  	s21 =	sor.u32 $0x380, s29;
	v0 =	vadd.f32 v62, v0  }
0xe1: {  	v21 =	vld [tilespmem:s21+$0x6100]  }
0xe2: {  	v0 =	vadd.f32 v63, v0  }
0xe3: {  	v22 =	vld [tilespmem:s23+$0x7100]  }
0xe4: {  	v0 =	vadd.f32 v20, v0  }
0xe5: {  	v23 =	vld [tilespmem:s23+$0x7180]  }
0xe6: {  	v0 =	vadd.f32 v21, v0  }
0xe7: {  	v24 =	vld [tilespmem:s23+$0x7200]  }
0xe8: {  	s30 =	sor.u32 $0x1180, s24;
	v0 =	vadd.f32 v22, v0  }
0xe9: {  	v25 =	vld [tilespmem:s30+$0x6100]  }
0xea: {  	v0 =	vadd.f32 v23, v0  }
0xeb: {  	v26 =	vld [tilespmem:s23+$0x7300]  }
0xec: {  	v0 =	vadd.f32 v24, v0  }
0xed: {  	v27 =	vld [tilespmem:s23+$0x7380]  }
0xee: {  	v0 =	vadd.f32 v25, v0  }
0xef: {  	v28 =	vld [tilespmem:s23+$0x7400]  }
0xf0: {  	v0 =	vadd.f32 v26, v0  }
0xf1: {  	v29 =	vld [tilespmem:s23+$0x7480]  }
0xf2: {  	v0 =	vadd.f32 v27, v0  }
0xf3: {  	v30 =	vld [tilespmem:s23+$0x8100]  }
0xf4: {  	v0 =	vadd.f32 v28, v0  }
0xf5: {  	v31 =	vld [tilespmem:s23+$0x8180]  }
0xf6: {  	v0 =	vadd.f32 v29, v0  }
0xf7: {  	v32 =	vld [tilespmem:s23+$0x8200]  }
0xf8: {  	v0 =	vadd.f32 v30, v0  }
0xf9: {  	v33 =	vld [tilespmem:s23+$0x8280]  }
0xfa: {  	v0 =	vadd.f32 v31, v0  }
0xfb: {  	v34 =	vld [tilespmem:s23+$0x8300]  }
0xfc: {  	v0 =	vadd.f32 v32, v0  }
0xfd: {  	v35 =	vld [tilespmem:s23+$0x8380]  }
0xfe: {  	v0 =	vadd.f32 v33, v0  }
0xff: {  	v36 =	vld [tilespmem:s23+$0x8400]  }
0x100: {  	v0 =	vadd.f32 v34, v0  }
0x101: {  	v37 =	vld [tilespmem:s23+$0x8480]  }
0x102: {  	v0 =	vadd.f32 v35, v0  }
0x103: {  	v38 =	vld [tilespmem:s23+$0x9100]  }
0x104: {  	v39 =	vld [tilespmem:s23+$0x9180];
	v0 =	vadd.f32 v36, v0  }
0x105: {  	v17 =	vld [tilespmem:s23+$0x4000]  }
0x106: {  	v0 =	vadd.f32 v37, v0  }
0x107: {  	v40 =	vld [tilespmem:s23+$0x4080]  }
0x108: {  	v0 =	vadd.f32 v38, v0  }
0x109: {  	v41 =	vld [tilespmem:s23+$0x4100]  }
0x10a: {  	v1 =	vmul.f32 v17, v1;
	v0 =	vadd.f32 v39, v0  }
0x10b: {  	v42 =	vld [tilespmem:s28+$0x4000]  }
0x10c: {  	v43 =	vmul.f32 v40, v2;
	v0 =	vadd.f32 v1, v0  }
0x10d: {  	v44 =	vld [tilespmem:s23+$0x4200]  }
0x10e: {  	v45 =	vmul.f32 v41, v3;
	v0 =	vadd.f32 v43, v0  }
0x10f: {  	v46 =	vld [tilespmem:s23+$0x4280]  }
0x110: {  	v47 =	vmul.f32 v42, v4;
	v0 =	vadd.f32 v45, v0  }
0x111: {  	v48 =	vld [tilespmem:s23+$0x4300]  }
0x112: {  	v49 =	vmul.f32 v44, v5;
	v0 =	vadd.f32 v47, v0  }
0x113: {  	v50 =	vld [tilespmem:s21+$0x4000]  }
0x114: {  	v51 =	vmul.f32 v46, v6;
	v0 =	vadd.f32 v49, v0  }
0x115: {  	v52 =	vld [tilespmem:s23+$0x5000]  }
0x116: {  	v53 =	vmul.f32 v48, v7;
	v0 =	vadd.f32 v51, v0  }
0x117: {  	v54 =	vld [tilespmem:s23+$0x5080]  }
0x118: {  	v55 =	vmul.f32 v50, v8;
	v0 =	vadd.f32 v53, v0  }
0x119: {  	v56 =	vld [tilespmem:s23+$0x5100]  }
0x11a: {  	v57 =	vmul.f32 v52, v9;
	v0 =	vadd.f32 v55, v0  }
0x11b: {  	v58 =	vld [tilespmem:s30+$0x4000]  }
0x11c: {  	v59 =	vmul.f32 v54, v10;
	v0 =	vadd.f32 v57, v0  }
0x11d: {  	v60 =	vld [tilespmem:s23+$0x5200]  }
0x11e: {  	v61 =	vmul.f32 v56, v11;
	v0 =	vadd.f32 v59, v0;
	_ =	sdelay $0x1  }
0x11f: {  	v62 =	vmul.f32 v58, v12;
	v0 =	vadd.f32 v61, v0;
	_ =	sdelay $0x1  }
0x120: {  	v63 =	vmul.f32 v60, v13;
	v0 =	vadd.f32 v62, v0;
	_ =	sdelay $0x1  }
0x121: {  	s19 =	sadd.s32 $0x1, s19;
	v0 =	vadd.f32 v63, v0  }
0x122: {  	s31 =	sadd.s32 $0x10, s20;
	p0 =	sne.s32 s19, s9  }
.Ltmp3:
0x123: {  	[tilespmem:s31+$0x0] =	vst v0;
	(pc) =	sbr.rel @p0 .LBB2_1-.Ltmp3, $4  }
0x124: {  	[hbm4b:s8+s5] =	stream.linear.scatter [tilespmem:s18], [sflag:$0x2], $0x200, $0x38;
	[tilespmem:$0xA300] =	vst v63  }
0x125: {  	_ =	swait.ge [sflag:s12], $0x200  }
0x126: {  	[sflag:s12] =	ssyncset.done $0x0  }
0x127: {  	[sflag:s12] =	ssyncadd.s32 $0xFFFFFE00  }
0x128: {  	_ =	sfence.sel $0x180000  }
0x129: {  	[bflag:$0x0] =	sbarrier.arrive $0xFFFF  }
0x12a: {  	p0 =	sne.s32 s4, $0x0;
	_ =	strace $0x90000047  }
0x12b: {  	s0 =	sadd.s32 @!p0 $0x100000, s0;
	[bflag:$0x2] =	sbarrier.arrive $0xFFFF  }
0x12c: {  	[sflag:s0] =	ssyncadd.tile.s32 @!p0 $0x1;
	_ =	shalt  }
.Lfunc_end2:
_tile_overlayer_lowered:
.L_overlay_start_2:
0x12d: {  	(tag) =	ssettag $0x2  }
0x12e: {  	s0 =	rddreg [dreg:$0x0];
	s2 =	stileid.u32  }
0x12f: {  	s1 =	rddreg [dreg:$0x1];
	p0 =	sne.s32 s2, $0x0  }
0x130: {  	s3 =	rddreg [dreg:$0x2];
	[bflag:$0x3] =	sbarrier.arrive $0xFFFF;
	s2 =	simm.s32 @!p0 $0x1C02  }
0x131: {  	[timem:s3], [sflag:s2] =	dma.local @!p0 [hbm:s0], s1  }
0x132: {  	s0 =	simm.s32 @!p0 $0x2  }
0x133: {  	_ =	swait.ge @!p0 [sflag:s0], s1  }
0x134: {  	s1 =	ssub.s32 @!p0 $0x0, s1;
	[sflag:s0] =	ssyncset.done @!p0 $0x0  }
0x135: {  	[sflag:s0] =	ssyncadd.s32 @!p0 s1  }
0x136: {  	[bflag:$0x3] =	sbarrier.arrive $0xFFFF  }
0x137: {  	_ =	shalt  }

</sc_bundles>
